<compile_context>
chip_gen: v7x
topology: tpu7x:2x2x1
jax: 0.10.2.dev20260603
libtpu: 0.0.44.dev20260713+nightly
codegen_flags: <defaults>
</compile_context>

<pallas_src>
import jax
import jax.numpy as jnp
from jax.experimental import pallas as pl
from jax.experimental.pallas import tpu as pltpu

N_CA, D_CA = 8, 16
N_SRO, D_SRO = 4, 32
D_RL = 64
DM = 128
N_TOK = N_CA + N_SRO + 1
OUTW = N_TOK * DM
D_TOT = N_CA * D_CA + N_SRO * D_SRO + D_RL

BLK = 1024


def _tok_kernel(idx_ref, wbd_ref, bias_ref, obs_ref, out_ref, wfull_ref):
    obs_dim = wfull_ref.shape[0]

    @pl.when(pl.program_id(0) == 0)
    def _build_wfull():
        iota = jax.lax.broadcasted_iota(jnp.int32, (obs_dim, D_TOT), 0)
        onehot = (iota == idx_ref[...]).astype(jnp.bfloat16)
        wfull_f32 = jax.lax.dot_general(
            onehot, wbd_ref[...],
            dimension_numbers=(((1,), (0,)), ((), ())),
            preferred_element_type=jnp.float32)
        wfull_ref[...] = wfull_f32.astype(jnp.bfloat16)

    obs_bf = obs_ref[...].astype(jnp.bfloat16)
    acc = jax.lax.dot_general(
        obs_bf, wfull_ref[...],
        dimension_numbers=(((1,), (0,)), ((), ())),
        preferred_element_type=jnp.float32)
    out_ref[...] = acc + bias_ref[...]


def kernel(obs, ca_idx, sro_idx, rl_idx, W_ca, b_ca, W_sro, b_sro, W_rl, b_rl, type_emb):
    batch, obs_dim = obs.shape

    idx = jnp.concatenate(
        [ca_idx.reshape(-1), sro_idx.reshape(-1), rl_idx.reshape(-1)]
    ).astype(jnp.int32)[None, :]

    wbd = jnp.zeros((D_TOT, N_TOK, DM), jnp.float32)
    for t in range(N_CA):
        wbd = wbd.at[t * D_CA:(t + 1) * D_CA, t, :].set(W_ca)
    base = N_CA * D_CA
    for t in range(N_SRO):
        wbd = wbd.at[base + t * D_SRO:base + (t + 1) * D_SRO, N_CA + t, :].set(W_sro)
    wbd = wbd.at[base + N_SRO * D_SRO:, N_TOK - 1, :].set(W_rl)
    wbd = wbd.reshape(D_TOT, OUTW).astype(jnp.bfloat16)

    btok = jnp.concatenate([
        jnp.broadcast_to(b_ca, (N_CA, DM)),
        jnp.broadcast_to(b_sro, (N_SRO, DM)),
        b_rl[None, :],
    ], axis=0)
    bias = (type_emb + btok).reshape(1, OUTW)

    grid = (batch // BLK,)
    out = pl.pallas_call(
        _tok_kernel,
        grid=grid,
        in_specs=[
            pl.BlockSpec((1, D_TOT), lambda i: (0, 0)),
            pl.BlockSpec((D_TOT, OUTW), lambda i: (0, 0)),
            pl.BlockSpec((1, OUTW), lambda i: (0, 0)),
            pl.BlockSpec((BLK, obs_dim), lambda i: (i, 0)),
        ],
        out_specs=pl.BlockSpec((BLK, OUTW), lambda i: (i, 0)),
        out_shape=jax.ShapeDtypeStruct((batch, OUTW), jnp.float32),
        scratch_shapes=[pltpu.VMEM((obs_dim, OUTW), jnp.bfloat16)],
        compiler_params=pltpu.CompilerParams(
            dimension_semantics=("arbitrary",)),
    )(idx, wbd, bias, obs)
    return out.reshape(batch, N_TOK, DM)

# --- scband reference (transcript-rebuilt; emitter-appended) ---
"""Pipeline reference for scband-observation-tokenizer-40793599377484 (READ-ONLY COPY).

The authoritative reference and input builder live on the scoring server;
editing this copy changes nothing except your own understanding.
"""

import jax, jax.numpy as jnp
import numpy as np

B = 16384      # batch
OBS = 512      # post-encoded flat observation dim
N_CA = 8       # controllable-asset instances (tokens)
D_CA = 16      # dims gathered per CA token
N_SRO = 4      # shared/read-only groups (tokens)
D_SRO = 32     # dims gathered per SRO token
D_RL = 64      # dims gathered for the residual-load token
DM = 128       # d_model
N_TOK = N_CA + N_SRO + 1


def setup_inputs(seed: int = 0) -> dict:
    key = jax.random.key(seed)
    ks = jax.random.split(key, 12)
    obs = jax.random.normal(ks[0], (B, OBS), dtype=jnp.float32)
    # Index sets per token group (built from the name-matching logic in __init__;
    # here materialized as dense index tensors).
    ca_idx = jax.random.randint(ks[1], (N_CA, D_CA), 0, OBS, dtype=jnp.int64)
    sro_idx = jax.random.randint(ks[2], (N_SRO, D_SRO), 0, OBS, dtype=jnp.int64)
    rl_idx = jax.random.randint(ks[3], (D_RL,), 0, OBS, dtype=jnp.int64)
    # Per-type projection weights into d_model token embeddings.
    W_ca = jax.random.normal(ks[4], (D_CA, DM), dtype=jnp.float32) / np.sqrt(D_CA)
    b_ca = jnp.zeros((DM,), dtype=jnp.float32)
    W_sro = jax.random.normal(ks[5], (D_SRO, DM), dtype=jnp.float32) / np.sqrt(D_SRO)
    b_sro = jnp.zeros((DM,), dtype=jnp.float32)
    W_rl = jax.random.normal(ks[6], (D_RL, DM), dtype=jnp.float32) / np.sqrt(D_RL)
    b_rl = jnp.zeros((DM,), dtype=jnp.float32)
    # Learned type embedding added per token position (typed tokens).
    type_emb = jax.random.normal(ks[7], (N_TOK, DM), dtype=jnp.float32) * 0.02
    return {
        "obs": obs,
        "ca_idx": ca_idx,
        "sro_idx": sro_idx,
        "rl_idx": rl_idx,
        "W_ca": W_ca, "b_ca": b_ca,
        "W_sro": W_sro, "b_sro": b_sro,
        "W_rl": W_rl, "b_rl": b_rl,
        "type_emb": type_emb,
    }


def reference(obs, ca_idx, sro_idx, rl_idx, W_ca, b_ca, W_sro, b_sro, W_rl, b_rl, type_emb):
    # Gather the per-instance feature slices out of the flat observation
    # (equivalent to iterating self._ca_instances and slicing obs[:, indices]).
    ca_feat = obs[:, ca_idx]                      # [B, N_CA, D_CA]  (gather)
    ca_tokens = jnp.einsum('bnd,dm->bnm', ca_feat, W_ca) + b_ca[None, None, :]
    sro_feat = obs[:, sro_idx]                    # [B, N_SRO, D_SRO] (gather)
    sro_tokens = jnp.einsum('bnd,dm->bnm', sro_feat, W_sro) + b_sro[None, None, :]
    rl_feat = jnp.take(obs, rl_idx, axis=1)       # [B, D_RL]        (gather)
    rl_token = (rl_feat @ W_rl + b_rl)[:, None, :]  # [B, 1, DM]
    tokens = jnp.concatenate([ca_tokens, sro_tokens, rl_token], axis=1)
    tokens = tokens + type_emb[None, :, :]        # typed token embeddings
    return tokens                                 # [B, N_CA + N_SRO + 1, DM]

if __name__ == "__main__":
    import jax
    _d = setup_inputs()
    print(jax.jit(kernel)(*tuple(_d.values())))

</pallas_src>

<mosaic_0001>
module attributes {stable_mosaic.version = 14 : i64} {
  func.func @_tok_kernel(%arg0: i32, %arg1: memref<1x320xi32, #tpu.memory_space<vmem>>, %arg2: memref<320x1664xbf16, #tpu.memory_space<vmem>>, %arg3: memref<1x1664xf32, #tpu.memory_space<vmem>>, %arg4: memref<1024x512xf32, #tpu.memory_space<vmem>>, %arg5: memref<1024x1664xf32, #tpu.memory_space<vmem>>, %arg6: memref<512x1664xbf16, #tpu.memory_space<vmem>>) attributes {dimension_semantics = [#tpu.dimension_semantics<arbitrary>], iteration_bounds = array<i64: 16>, scalar_prefetch = 0 : i64, scratch_operands = 1 : i64, tpu.core_type = #tpu.core_type<tc>, window_params = [{pipeline_mode = #tpu.pipeline_mode<synchronous>, transform_indices = @transform_0, window_bounds = array<i64: 1, 320>}, {pipeline_mode = #tpu.pipeline_mode<synchronous>, transform_indices = @transform_1, window_bounds = array<i64: 320, 1664>}, {pipeline_mode = #tpu.pipeline_mode<synchronous>, transform_indices = @transform_2, window_bounds = array<i64: 1, 1664>}, {transform_indices = @transform_3, window_bounds = array<i64: 1024, 512>}, {transform_indices = @transform_4, window_bounds = array<i64: 1024, 1664>}]} {
    %eq3A = arith.constant 0 : i32
    %eq3A_0 = arith.cmpi eq, %arg0, %eq3A : i32
    %convert_element_type3A = arith.extui %eq3A_0 : i1 to i32
    %cond3A = arith.constant 0 : i32
    %cond3A_1 = arith.cmpi ne, %convert_element_type3A, %cond3A : i32
    scf.if %cond3A_1 {
      %iota3A = tpu.iota {dimensions = array<i32: 0>} : vector<512x320xi32>
      %get3A_15 = arith.constant 0 : index
      %get3A_16 = arith.constant 0 : index
      %get3A_17 = vector.load %arg1[%get3A_15, %get3A_16] : memref<1x320xi32, #tpu.memory_space<vmem>>, vector<1x320xi32>
      %eq3A_18 = vector.broadcast %get3A_17 : vector<1x320xi32> to vector<512x320xi32>
      %eq3A_19 = arith.cmpi eq, %iota3A, %eq3A_18 : vector<512x320xi32>
      %convert_element_type3A_20 = arith.extui %eq3A_19 : vector<512x320xi1> to vector<512x320xi32>
      %convert_element_type3A_21 = arith.sitofp %convert_element_type3A_20 : vector<512x320xi32> to vector<512x320xf32>
      %convert_element_type3A_22 = arith.truncf %convert_element_type3A_21 : vector<512x320xf32> to vector<512x320xbf16>
      %get3A_23 = arith.constant 0 : index
      %get3A_24 = arith.constant 0 : index
      %get3A_25 = vector.load %arg2[%get3A_23, %get3A_24] : memref<320x1664xbf16, #tpu.memory_space<vmem>>, vector<320x1664xbf16>
      %dot_general3A_26 = arith.constant dense<0.000000e+00> : vector<512x1664xf32>
      %dot_general3A_27 = tpu.matmul %convert_element_type3A_22, %get3A_25, %dot_general3A_26 {dimension_numbers = #tpu.dot_dimension_numbers<[1], [0], [0], [1], [0, 0, 1, 1], [], []>, transpose_lhs_hint = false} : vector<512x320xbf16>, vector<320x1664xbf16>, vector<512x1664xf32> -> vector<512x1664xf32>
      %convert_element_type3A_28 = arith.truncf %dot_general3A_27 : vector<512x1664xf32> to vector<512x1664xbf16>
      %swap3A_29 = arith.constant 0 : index
      %swap3A_30 = arith.constant 0 : index
      %swap3A_31 = vector.load %arg6[%swap3A_29, %swap3A_30] : memref<512x1664xbf16, #tpu.memory_space<vmem>>, vector<512x1664xbf16>
      tpu.vector_store %arg6[%swap3A_29, %swap3A_30], %convert_element_type3A_28 {strides = array<i32>} : memref<512x1664xbf16, #tpu.memory_space<vmem>>, vector<512x1664xbf16>,
    } else {
    }
    %get3A = arith.constant 0 : index
    %get3A_2 = arith.constant 0 : index
    %get3A_3 = vector.load %arg4[%get3A, %get3A_2] : memref<1024x512xf32, #tpu.memory_space<vmem>>, vector<1024x512xf32>
    %convert_element_type3A_4 = arith.truncf %get3A_3 : vector<1024x512xf32> to vector<1024x512xbf16>
    %get3A_5 = arith.constant 0 : index
    %get3A_6 = arith.constant 0 : index
    %get3A_7 = vector.load %arg6[%get3A_5, %get3A_6] : memref<512x1664xbf16, #tpu.memory_space<vmem>>, vector<512x1664xbf16>
    %dot_general3A = arith.constant dense<0.000000e+00> : vector<1024x1664xf32>
    %dot_general3A_8 = tpu.matmul %convert_element_type3A_4, %get3A_7, %dot_general3A {dimension_numbers = #tpu.dot_dimension_numbers<[1], [0], [0], [1], [0, 0, 1, 1], [], []>, transpose_lhs_hint = false} : vector<1024x512xbf16>, vector<512x1664xbf16>, vector<1024x1664xf32> -> vector<1024x1664xf32>
    %get3A_9 = arith.constant 0 : index
    %get3A_10 = arith.constant 0 : index
    %get3A_11 = vector.load %arg3[%get3A_9, %get3A_10] : memref<1x1664xf32, #tpu.memory_space<vmem>>, vector<1x1664xf32>
    %add3A = vector.broadcast %get3A_11 : vector<1x1664xf32> to vector<1024x1664xf32>
    %add3A_12 = arith.addf %dot_general3A_8, %add3A : vector<1024x1664xf32>
    %swap3A = arith.constant 0 : index
    %swap3A_13 = arith.constant 0 : index
    %swap3A_14 = vector.load %arg5[%swap3A, %swap3A_13] : memref<1024x1664xf32, #tpu.memory_space<vmem>>, vector<1024x1664xf32>
    tpu.vector_store %arg5[%swap3A, %swap3A_13], %add3A_12 {strides = array<i32>} : memref<1024x1664xf32, #tpu.memory_space<vmem>>, vector<1024x1664xf32>,
    return
  }
  func.func @transform_0(%arg0: i32) -> (i32, i32) {
    %c0_i32 = arith.constant 0 : i32
    %c0_i32_0 = arith.constant 0 : i32
    %c0_i32_1 = arith.constant 0 : i32
    return %c0_i32, %c0_i32_0 : i32, i32
  }
  func.func @transform_1(%arg0: i32) -> (i32, i32) {
    %c0_i32 = arith.constant 0 : i32
    %c0_i32_0 = arith.constant 0 : i32
    %c0_i32_1 = arith.constant 0 : i32
    return %c0_i32, %c0_i32_0 : i32, i32
  }
  func.func @transform_2(%arg0: i32) -> (i32, i32) {
    %c0_i32 = arith.constant 0 : i32
    %c0_i32_0 = arith.constant 0 : i32
    %c0_i32_1 = arith.constant 0 : i32
    return %c0_i32, %c0_i32_0 : i32, i32
  }
  func.func @transform_3(%arg0: i32) -> (i32, i32) {
    %c0_i32 = arith.constant 0 : i32
    %c0_i32_0 = arith.constant 0 : i32
    return %arg0, %c0_i32 : i32, i32
  }
  func.func @transform_4(%arg0: i32) -> (i32, i32) {
    %c0_i32 = arith.constant 0 : i32
    %c0_i32_0 = arith.constant 0 : i32
    return %arg0, %c0_i32 : i32, i32
  }
}

</mosaic_0001>

<sc_bundles>
// kernel: sparse-core-data-format-call.cloned.1.call-start
scs
called_computation_lowered:
.L_overlay_start_0:
0x0: {  	s2 =	sld [smem:$0x3FD9]  }
0x1: {  	s3 =	sld [smem:$0x3FFE];
	_ =	sdelay $0x1  }
0x2: {  	s1 =	srdreg.scid  }
0x3: {  	s0 =	sand.u32 $0x1, s1  }
0x4: {  	s18 =	sshll.u32 s0, $0xA;
	s2 =	sadd.s32 s3, s2  }
0x5: {  	s2 =	sadd.s32 s2, s18  }
0x6: {  	[smem:$0x3FBD] =	sst s2  }
0x7: {  	_ = 	snop  }
0x8: {  	s2 =	sld [smem:$0x3FD0];
	(tm) =	ssettm $0x1  }
0x9: {  	s19 =	sld [smem:$0x3FFB];
	_ =	sdelay $0x3  }
0xa: {  	_ =	strace s19  }
0xb: {  	s3 =	sld [smem:$0x3FFC];
	_ =	sdelay $0x3  }
0xc: {  	_ =	strace s3  }
0xd: {  	s3 =	sld [smem:$0x3FFD];
	_ =	sdelay $0x3  }
0xe: {  	_ =	strace s3  }
0xf: {  	_ =	strace $0x8FFFFFFF  }
0x10: {  	s20 =	sld [smem:$0x3FDB];
	_ =	sdelay $0x1  }
0x11: {  	s4 =	simm.s32 $_scs_section_size  }
0x12: {  	s5 =	simm.s32 $_size__tile_overlayer_lowered;
	s6 =	simm.s32 $_tile_overlayer_lowered  }
0x13: {  	s23 =	simm.s32 $0x1BFF;
	s22 =	sshll.u32 s6, $0x1;
	s3 =	sadd.s32 s4, s20  }
0x14: {  	s7 =	simm.s32 $0x0;
	s21 =	sshll.u32 s5, $0x1;
	s5 =	sadd.s32 s22, s3  }
0x15: {  	[timem:s7], [sflag:s23] =	dma.local [hbm:s5], s21  }
0x16: {  	_ =	swait.ge [sflag:s23], s21  }
0x17: {  	s4 =	ssub.s32 $0x0, s21;
	[sflag:s23] =	ssyncset.done $0x0  }
0x18: {  	[sflag:s23] =	ssyncadd.s32 s4;
	_ =	sdelay $0x1  }
0x19: {  	s24 =	simm.s32 $0x1B8B  }
0x1a: {  	_ =	swait.ge [sflag:s24], $0x1  }
0x1b: {  	[sflag:s24] =	ssyncset.done $0x0  }
0x1c: {  	s26 =	simm.s32 $0x1B8E;
	s25 =	sld [smem:$0x3FFE];
	[sflag:s24] =	ssyncadd.s32 $0xFFFFFFFF  }
0x1d: {  	s27 =	simm.s32 $execute0_lowered;
	[smem:$0x3FD2] =	sst s26  }
0x1e: {  	s5 =	sshll.u32 s27, $0x1;
	_ =	strace $0x80000046;
	[dreg:$0x1] =	wrdreg $0xFFFFFFFF  }
0x1f: {  	s28 =	simm.s32 $_size_execute0_lowered;
	s3 =	sadd.s32 s3, s5;
	[dreg:$0x0] =	wrdreg $0x0  }
0x20: {  	s5 =	sshll.u32 s28, $0x1;
	[dreg:$0x2] =	wrdreg s3  }
0x21: {  	[dreg:$0x3] =	wrdreg s5  }
0x22: {  	[dreg:$0x4] =	wrdreg $0xC0  }
0x23: {  	_ =	task [dreg:s7], $0x5FFFF  }
0x24: {  	[dreg:$0x1] =	wrdreg $0xFFFFFFFF  }
0x25: {  	[dreg:$0x0] =	wrdreg $0x60  }
0x26: {  	[dreg:$0x2] =	wrdreg s25  }
0x27: {  	[dreg:$0x3] =	wrdreg s2  }
0x28: {  	[dreg:$0x4] =	wrdreg $0x9  }
0x29: {  	_ =	task.clear_ibuf [dreg:s7], $0x5FFFF;
	_ =	strace $0x90000046  }
0x2a: {  	s29 =	simm.s32 $0x9;
	_ =	strace $0x80000048  }
0x2b: {  	_ =	swait.ge [sflag:s29], $0x1  }
0x2c: {  	[sflag:s29] =	ssyncadd.s32 $0xFFFFFFFF  }
0x2d: {  	_ =	strace $0x90000048  }
0x2e: {  	_ =	sfence  }
0x2f: {  	s30 =	sld [smem:$0x0];
	_ =	sdelay $0x2  }
0x30: {  	s31 =	sshll.u32 s1, $0xD;
	s1 =	sshrl.u32 s1, $0x2  }
0x31: {  	s3 =	sand.u32 $0x4000, s31;
	s1 =	sadd.s32 s1, s30  }
0x32: {  	s0 =	sor.u32 s3, s0;
	s1 =	sshll.u32 s1, $0x11  }
0x33: {  	s0 =	sor.u32 s1, s0  }
0x34: {  	s0 =	sadd.s32 $0x8F2B, s0  }
0x35: {  	[sflag:s0] =	ssyncadd.remote.s32 $0x1  }
0x36: {  	_ =	sfence.sel $0xFFFF  }
0x37: {  	[dreg:$0x0] =	wrdreg $0xFFFFFFFF;
	(pc) =	sbr.abs _section_cstart, $3  }
0x38: {  	[dreg:$0x1] =	wrdreg $0xFFFFFFFF  }
0x39: {  	_ =	task.clear_ibuf [dreg:s7], $0x2FFFF;
	_ =	strace $0x9FFFFFFF  }
0x3a: {  	(tm) =	ssettm $0x7FFFFFFF  }
0x3b: {  	_ =	shalt  }
tec
execute0_lowered:
.L_overlay_start_1:
0x0: {  	(tag) =	ssettag $0x1  }
0x1: {  	s0 =	srdreg.scid  }
0x2: {  	s1 =	sshll.u32 s0, $0x4  }
0x3: {  	s0 =	stileid.u32;
	s1 =	sand.u32 $0x10, s1  }
0x4: {  	s6 =	rddreg [dreg:$0x0];
	s1 =	sor.u32 s0, s1  }
0x5: {  	s4 =	simm.s32 $0x1;
	s7 =	simm.s32 $0x2;
	s2 =	sshll.u32 s1, $0x7  }
0x6: {  	s14 =	simm.s32 $0x0;
	s12 =	simm.s32 $0x0;
	s1 =	ssub.s32 $0x4000, s2  }
0x7: {  	s13 =	simm.s32 $0x0;
	s9 =	simm.s32 $0x0;
	s3 =	sand.u32 $0xF80, s1  }
0x8: {  	s10 =	simm.s32 $0x0;
	s5 =	sshrl.u32 s1, $0xC;
	p0 =	sne.s32 s3, $0x0  }
.Ltmp0:
0x9: {  	s1 =	rddreg [dreg:$0x2];
	s4 =	simm.s32 @!p0 $0x0;
	(pc) =	sbr.rel .LBB1_1-.Ltmp0, $4  }
0xa: {  	s11 =	simm.s32 $0x0;
	s3 =	rddreg [dreg:$0x1];
	s5 =	sadd.s32 s4, s5  }
0xb: {  	_ =	strace $0x80000047;
	s4 =	simm.s32 $0x1;
	s5 =	smul.u32 $0xD, s5  }
0xc: {  	s6 =	sadd.s32 $0xA00, s6;
	s8 =	smov.u32 s2;
	[sflag:s4] =	ssyncpa.u1 $0x0  }
0xd: {  	p0 =	por $0x0, $0x0;
	[sflag:s7] =	ssyncpa.u1 $0x0;
	s7 =	sadd.s32 $0x1, s5  }
.LBB1_4:
0xe: {  	v5 =	vld [tilespmem:s18+$0xFFFFFFD0];
	[tilespmem:s17+$0x2040 ss:$0x81] =	vst.msk $0xffff, v1  }
0xf: {  	v58 =	vld [tilespmem:s18+$0xFFFFFFE0];
	[tilespmem:s17+$0x2850 ss:$0x81] =	vst.msk $0xffff, v2  }
0x10: {  	s19 =	sshra.s32 s19, $0x2;
	v59 =	vld [tilespmem:s18+$0xFFFFFFF0];
	[tilespmem:s17+$0x3060 ss:$0x81] =	vst.msk $0xffff, v3  }
0x11: {  	v60 =	vld [tilespmem:s18+$0x0];
	[tilespmem:s17+$0x0 ss:$0x81] =	vst.msk $0xffff, v0;
	s16 =	sadd.s32 s19, s16  }
0x12: {  	v61 =	vld [tilespmem:s18+$0x10];
	[tilespmem:s16+$0x3870 ss:$0x81] =	vst.msk $0xffff, v4  }
0x13: {  	v62 =	vld [tilespmem:s18+$0x20];
	s14 =	sshll.u32 s14, $0x7;
	s28 =	sshll.u32 s12, $0x3;
	[tilespmem:s16+$0x810 ss:$0x81] =	vst.msk $0xffff, v5  }
0x14: {  	v63 =	vld [tilespmem:s18+$0xFFFFFFC0];
	s29 =	sand.u32 $0x1FFC00, s14;
	s17 =	sand.u32 $0x1FFC00, s28;
	[tilespmem:s16+$0x1020 ss:$0x81] =	vst.msk $0xffff, v58  }
0x15: {  	s14 =	sand.u32 $0x380, s14;
	s17 =	sadd.s32 s17, s29;
	[tilespmem:s16+$0x1830 ss:$0x81] =	vst.msk $0xffff, v59  }
0x16: {  	s13 =	sshll.u32 s13, $0x12;
	s30 =	sshrl.u32 s12, $0x3;
	s14 =	sor.u32 s14, s17;
	[tilespmem:s16+$0x2040 ss:$0x81] =	vst.msk $0xffff, v60  }
0x17: {  	s13 =	sadd.s32 s3, s13;
	s17 =	sand.u32 $0xF, s30;
	s14 =	sshrl.u32 s14, $0x3;
	[tilespmem:s16+$0x2850 ss:$0x81] =	vst.msk $0xffff, v61  }
0x18: {  	s13 =	sadd.s32 s17, s13;
	[tilespmem:s16+$0x3060 ss:$0x81] =	vst.msk $0xffff, v62;
	s14 =	sand.u32 $0x3FFF0, s14  }
0x19: {  	s31 =	sand.u32 $0x7, s12;
	[tilespmem:s16+$0x0 ss:$0x81] =	vst.msk $0xffff, v63;
	s13 =	sadd.s32 s14, s13  }
0x1a: {  	[hbm4b:s13+s31] =	stream.linear.scatter [tilespmem:s15], [sflag:$0x2], $0x4000, $0x20;
	[tilespmem:$0x10100] =	vst v63  }
.LBB1_5:
0x1b: {  	s15 =	sadd.s32 $0x1000, s8  }
0x1c: {  	s12 =	sadd.s32 $0x80, s9;
	s16 =	smov.u32 s9;
	p2 =	sgt.s32 s15, $0x3FFF  }
0x1d: {  	s16 =	smov.u32 @p2 s12  }
0x1e: {  	s12 =	simm.s32 $0x1;
	p3 =	sgt.s32 s16, $0x7F  }
0x1f: {  	s12 =	simm.s32 @!p3 $0x0  }
0x20: {  	s18 =	sadd.s32 s12, s10  }
0x21: {  	s15 =	smov.u32 @p2 s2;
	p2 =	sgt.s32 s18, $0xC  }
0x22: {  	p1 =	slt.u32 s11, $0x2;
	s18 =	simm.s32 @p2 $0x0;
	p2 =	sne.s32 s11, s7  }
.Ltmp1:
0x23: {  	s17 =	simm.s32 @!p1 $0x2;
	(pc) =	sbr.rel @!p2 .LBB1_6-.Ltmp1, $4  }
0x24: {  	s14 =	smov.u32 s8;
	s13 =	smov.u32 s10;
	_ =	swait.ge @!p1 [sflag:s17], $0x4000  }
0x25: {  	p0 =	por !p0, !p0;
	[sflag:s17] =	ssyncset.done @!p1 $0x0;
	s8 =	smov.u32 s15  }
0x26: {  	s16 =	simm.s32 @p3 $0x0;
	[sflag:s17] =	ssyncadd.s32 @!p1 $0xFFFFC000;
	s12 =	smov.u32 s9  }
0x27: {  	s9 =	smov.u32 s16;
	s11 =	sadd.s32 $0x1, s11;
	s10 =	smov.u32 s18  }
.LBB1_1:
0x28: {  	p1 =	sge.u32 s11, s5;
	s31 =	sadd.s32 $0xFFFFFFFF, s11  }
0x29: {  	s15 =	sxor.u32 @!p1 $0xFFFFFFFF, s11;
	s16 =	sand.u32 @!p1 $0x78, s8;
	s17 =	sshll.u32 @!p1 s9, $0xE  }
0x2a: {  	s18 =	sshll.u32 @!p1 s9, $0x7;
	s19 =	sshll.u32 @!p1 s8, $0x3;
	s15 =	sshll.u32 @!p1 s15, $0xE  }
0x2b: {  	s17 =	sand.u32 @!p1 $0x1E0000, s17;
	s18 =	sand.u32 @!p1 $0x380, s18;
	s15 =	sand.u32 @!p1 $0x4000, s15  }
0x2c: {  	s17 =	sadd.s32 @!p1 s17, s19;
	s19 =	sand.u32 @!p1 $0x3C00, s19;
	s16 =	sor.u32 @!p1 s18, s16  }
0x2d: {  	s18 =	sshll.u32 @!p1 s10, $0x12;
	s16 =	sor.u32 @!p1 s19, s16;
	s17 =	sshrl.u32 @!p1 s17, $0x3  }
0x2e: {  	s18 =	sadd.s32 @!p1 s6, s18;
	s19 =	sand.u32 @!p1 $0x7, s8;
	s17 =	sand.u32 @!p1 $0x3F800, s17  }
0x2f: {  	s16 =	sshrl.u32 @!p1 s16, $0x3;
	s17 =	sadd.s32 @!p1 s17, s18;
	s18 =	sshll.u32 @!p1 s19, $0x12  }
0x30: {  	s16 =	sadd.s32 @!p1 s16, s17;
	s17 =	sor.u32 @!p1 $0x400, s18;
	s18 =	simm.s32 @!p1 $0x20000  }
0x31: {  	[tilespmem:s15], [sflag:$0x1] =	stream.strided.gather @!p1 [hbm4b:s16+s17], $0x4000, s18, s17, $0x38;
	[tilespmem:$0x10100] =	vst v63  }
0x32: {  	p1 =	sge.u32 s31, s5  }
.Ltmp2:
0x33: {  	_ = 	snop;
	(pc) =	sbr.rel @p1 .LBB1_5-.Ltmp2, $1  }
0x34: {  	_ =	sdelay $0x3  }
0x35: {  	s15 =	simm.s32 $0x1  }
0x36: {  	_ =	swait.ge [sflag:s4], $0x4000;
	s15 =	simm.s32 @!p0 $0x0  }
0x37: {  	[sflag:s4] =	ssyncset.done $0x0;
	s16 =	sshll.u32 s15, $0xE  }
0x38: {  	[sflag:s4] =	ssyncadd.s32 $0xFFFFC000;
	s18 =	sor.u32 $0x40, s16  }
0x39: {  	s15 =	smul.u32 $0x10200, s15;
	v0 =	vld [tilespmem:s18+$0x30]  }
0x3a: {  	v3 =	vld [tilespmem:s18+$0xFFFFFFD0]  }
0x3b: {  	s15 =	sshrl.u32 s15, $0x2;
	v4 =	vld [tilespmem:s18+$0xFFFFFFE0]  }
0x3c: {  	v5 =	vld [tilespmem:s18+$0xFFFFFFF0];
	s16 =	sor.u32 $0x8000, s15  }
0x3d: {  	s31 =	sand.u32 $0x1, s11;
	v1 =	vld [tilespmem:s18+$0x0];
	s17 =	sadd.s32 $0x0, s16  }
0x3e: {  	v2 =	vld [tilespmem:s18+$0x10];
	s15 =	smul.u32 $0x10200, s31;
	[tilespmem:s17+$0x3870 ss:$0x81] =	vst.msk $0xffff, v0  }
0x3f: {  	[tilespmem:s17+$0x810 ss:$0x81] =	vst.msk $0xffff, v3;
	v3 =	vld [tilespmem:s18+$0x20]  }
0x40: {  	s15 =	sshrl.u32 s15, $0x2;
	v0 =	vld [tilespmem:s18+$0xFFFFFFC0];
	[tilespmem:s17+$0x1020 ss:$0x81] =	vst.msk $0xffff, v4;
	s18 =	sadd.s32 $0x80, s18  }
0x41: {  	s19 =	simm.s32 $0x4;
	s20 =	simm.s32 $0x8;
	s15 =	sor.u32 $0x8000, s15;
	[tilespmem:s17+$0x1830 ss:$0x81] =	vst.msk $0xffff, v5;
	v4 =	vld [tilespmem:s18+$0x30]  }
.LBB1_3:
0x42: {  	p1 =	sne.s32 s20, $0x1FC;
	v5 =	vld [tilespmem:s18+$0xFFFFFFD0];
	[tilespmem:s17+$0x2040 ss:$0x81] =	vst.msk $0xffff, v1  }
0x43: {  	v6 =	vld [tilespmem:s18+$0xFFFFFFE0];
	[tilespmem:s17+$0x2850 ss:$0x81] =	vst.msk $0xffff, v2  }
0x44: {  	s21 =	sshra.s32 s19, $0x2;
	s19 =	smov.u32 s20;
	v7 =	vld [tilespmem:s18+$0xFFFFFFF0];
	[tilespmem:s17+$0x3060 ss:$0x81] =	vst.msk $0xffff, v3  }
.Ltmp3:
0x45: {  	v1 =	vld [tilespmem:s18+$0x0];
	[tilespmem:s17+$0x0 ss:$0x81] =	vst.msk $0xffff, v0;
	s17 =	sadd.s32 s21, s16;
	(pc) =	sbr.rel @p1 .LBB1_3-.Ltmp3, $4  }
0x46: {  	v2 =	vld [tilespmem:s18+$0x10];
	[tilespmem:s17+$0x3870 ss:$0x81] =	vst.msk $0xffff, v4  }
0x47: {  	[tilespmem:s17+$0x810 ss:$0x81] =	vst.msk $0xffff, v5;
	v3 =	vld [tilespmem:s18+$0x20]  }
0x48: {  	v0 =	vld [tilespmem:s18+$0xFFFFFFC0];
	[tilespmem:s17+$0x1020 ss:$0x81] =	vst.msk $0xffff, v6;
	s18 =	sadd.s32 $0x80, s18  }
0x49: {  	s20 =	sadd.s32 $0x4, s20;
	v4 =	vld [tilespmem:s18+$0x30];
	[tilespmem:s17+$0x1830 ss:$0x81] =	vst.msk $0xffff, v7  }
.Ltmp4:
0x4a: {  	_ = 	snop;
	(pc) =	sbr.rel .LBB1_4-.Ltmp4, $1  }
0x4b: {  	_ =	sdelay $0x3  }
.LBB1_6:
0x4c: {  	_ =	sfence.sel $0x180000  }
0x4d: {  	s2 =	simm.s32 $0x1;
	[bflag:$0x0] =	sbarrier.arrive $0xFFFF  }
0x4e: {  	s31 =	simm.s32 $0x2;
	[sflag:s2] =	ssyncpa.u1 $0x1  }
0x4f: {  	[sflag:s31] =	ssyncpa.u1 $0x1  }
0x50: {  	p0 =	sne.s32 s0, $0x0;
	_ =	strace $0x90000047  }
0x51: {  	s0 =	sadd.s32 @!p0 $0x100000, s1;
	[bflag:$0x2] =	sbarrier.arrive $0xFFFF  }
0x52: {  	[sflag:s0] =	ssyncadd.tile.s32 @!p0 $0x1;
	_ =	shalt  }
.Lfunc_end1:
_tile_overlayer_lowered:
.L_overlay_start_2:
0x53: {  	(tag) =	ssettag $0x2  }
0x54: {  	s0 =	rddreg [dreg:$0x0];
	s2 =	stileid.u32  }
0x55: {  	s1 =	rddreg [dreg:$0x1];
	p0 =	sne.s32 s2, $0x0  }
0x56: {  	s3 =	rddreg [dreg:$0x2];
	[bflag:$0x3] =	sbarrier.arrive $0xFFFF;
	s2 =	simm.s32 @!p0 $0x1C01  }
0x57: {  	[timem:s3], [sflag:s2] =	dma.local @!p0 [hbm:s0], s1  }
0x58: {  	s0 =	simm.s32 @!p0 $0x1  }
0x59: {  	_ =	swait.ge @!p0 [sflag:s0], s1  }
0x5a: {  	s1 =	ssub.s32 @!p0 $0x0, s1;
	[sflag:s0] =	ssyncset.done @!p0 $0x0  }
0x5b: {  	[sflag:s0] =	ssyncadd.s32 @!p0 s1  }
0x5c: {  	[bflag:$0x3] =	sbarrier.arrive $0xFFFF  }
0x5d: {  	_ =	shalt  }

</sc_bundles>
